<compile_context>
chip_gen: v7x
topology: tpu7x:2x2x1
jax: 0.10.2.dev20260603
libtpu: 0.0.44.dev20260713+nightly
codegen_flags: <defaults>
</compile_context>

<pallas_src>
import functools

import jax
from jax import lax
import jax.numpy as jnp
from jax.experimental import pallas as pl
from jax.experimental.pallas import tpu as pltpu
from jax.experimental.pallas import tpu_sc as plsc

_NC, _NS = 2, 16
_NW = _NC * _NS
_CHUNK = 160
_PAD_BLK = 5000


def _pad_body(x_ref, o_ref):
    depth = x_ref.shape[1]
    o_ref[:, :depth] = x_ref[...]
    o_ref[:, depth:] = jnp.zeros_like(x_ref)


def kernel(texts_tokenized, table):
    batch, seq = texts_tokenized.shape
    vocab, depth = table.shape
    num_idx = batch * seq
    b_per_w = num_idx // _NW
    n_chunks = b_per_w // _CHUNK
    assert b_per_w % _CHUNK == 0 and n_chunks % 2 == 0
    assert _CHUNK % 16 == 0

    ids = texts_tokenized.reshape(num_idx)
    tab_pad = pl.pallas_call(
        _pad_body,
        out_shape=jax.ShapeDtypeStruct((vocab, 2 * depth), table.dtype),
        grid=(vocab // _PAD_BLK,),
        in_specs=[pl.BlockSpec((_PAD_BLK, depth), lambda i: (i, 0))],
        out_specs=pl.BlockSpec((_PAD_BLK, 2 * depth), lambda i: (i, 0)),
    )(table)

    mesh = plsc.VectorSubcoreMesh(core_axis_name="c", subcore_axis_name="s")

    @functools.partial(
        pl.kernel,
        mesh=mesh,
        out_type=jax.ShapeDtypeStruct((num_idx, depth), table.dtype),
        scratch_types=[
            pltpu.VMEM((_CHUNK,), jnp.int32),
            pltpu.VMEM((_CHUNK,), jnp.int32),
            pltpu.VMEM((_CHUNK, 2 * depth), table.dtype),
            pltpu.VMEM((_CHUNK, 2 * depth), table.dtype),
            pltpu.VMEM((_CHUNK, depth), table.dtype),
            pltpu.VMEM((_CHUNK, depth), table.dtype),
            pltpu.SemaphoreType.DMA,
            pltpu.SemaphoreType.DMA,
            pltpu.SemaphoreType.DMA,
            pltpu.SemaphoreType.DMA,
            pltpu.SemaphoreType.DMA,
            pltpu.SemaphoreType.DMA,
        ],
    )
    def gather_kernel(tp_hbm, ids_hbm, out_hbm,
                      ids0, ids1, rows0, rows1, out0, out1,
                      semI0, semI1, semG0, semG1, semO0, semO1):
        wid = lax.axis_index("s") * _NC + lax.axis_index("c")
        base = wid * b_per_w

        def start_idx(ci, ids_v, sem):
            pltpu.async_copy(ids_hbm.at[pl.ds(base + ci * _CHUNK, _CHUNK)],
                             ids_v, sem)

        def wait_idx(ids_v, sem):
            pltpu.make_async_copy(ids_hbm.at[pl.ds(base, _CHUNK)],
                                  ids_v, sem).wait()

        def start_gather(ids_v, rows_v, sem):
            pltpu.async_copy(
                tp_hbm.at[plsc.Indices(ids_v, ignored_value=-1)], rows_v, sem)

        def wait_gather(ids_v, rows_v, sem):
            pltpu.make_async_copy(
                tp_hbm.at[plsc.Indices(ids_v, ignored_value=-1)],
                rows_v, sem).wait()

        def compact(rows_v, out_v):
            @pl.loop(0, _CHUNK)
            def _(i):
                for q in range(depth // 16):
                    out_v[i, pl.ds(q * 16, 16)] = rows_v[i, pl.ds(q * 16, 16)]

        def start_out(ci, out_v, sem):
            pltpu.async_copy(out_v, out_hbm.at[pl.ds(base + ci * _CHUNK,
                                                     _CHUNK)], sem)

        def wait_out(out_v, sem):
            pltpu.make_async_copy(out_v, out_hbm.at[pl.ds(base, _CHUNK)],
                                  sem).wait()

        start_idx(0, ids0, semI0)
        wait_idx(ids0, semI0)
        start_gather(ids0, rows0, semG0)
        start_idx(1, ids1, semI1)

        @pl.loop(0, n_chunks // 2)
        def _(gi):
            g = gi * 2

            wait_gather(ids0, rows0, semG0)
            wait_idx(ids1, semI1)
            start_gather(ids1, rows1, semG1)

            @pl.when(g + 2 < n_chunks)
            def _():
                start_idx(g + 2, ids0, semI0)

            @pl.when(g >= 2)
            def _():
                wait_out(out0, semO0)

            compact(rows0, out0)
            start_out(g, out0, semO0)

            wait_gather(ids1, rows1, semG1)

            @pl.when(g + 2 < n_chunks)
            def _():
                wait_idx(ids0, semI0)
                start_gather(ids0, rows0, semG0)

            @pl.when(g + 3 < n_chunks)
            def _():
                start_idx(g + 3, ids1, semI1)

            @pl.when(g >= 2)
            def _():
                wait_out(out1, semO1)

            compact(rows1, out1)
            start_out(g + 1, out1, semO1)

        wait_out(out0, semO0)
        wait_out(out1, semO1)

    out = gather_kernel(tab_pad, ids)
    return out.reshape(batch, seq, depth)

# --- scband reference (transcript-rebuilt; emitter-appended) ---
"""Pipeline reference for scband-text-embedder-15960098472392 (READ-ONLY COPY).

The authoritative reference and input builder live on the scoring server;
editing this copy changes nothing except your own understanding.
"""

import jax, jax.numpy as jnp
import numpy as np

VOCAB = 100000
DEPTH = 64
BATCH = 4096
SEQ = 50

def setup_inputs(seed: int = 0) -> dict:
    key = jax.random.key(seed)
    k_idx, k_tab = jax.random.split(key)
    texts_tokenized = jax.random.randint(k_idx, (BATCH, SEQ), 0, VOCAB, dtype=jnp.int64 if jax.config.jax_enable_x64 else jnp.int32).astype(jnp.int32)
    # Keras Embedding default initializer is uniform(-0.05, 0.05)
    table = jax.random.uniform(k_tab, (VOCAB, DEPTH), dtype=jnp.float32, minval=-0.05, maxval=0.05)
    return {"texts_tokenized": texts_tokenized, "table": table}

def reference(texts_tokenized, table):
    # tf.keras.layers.Embedding call: gather rows of the table by token id
    embedding = jnp.take(table, texts_tokenized, axis=0)
    return embedding

if __name__ == "__main__":
    import jax
    _d = setup_inputs()
    print(jax.jit(kernel)(*tuple(_d.values())))

</pallas_src>

<mosaic_0001>
#map = affine_map<(d0, d1) -> (0, 0)>
#map1 = affine_map<(d0, d1) -> (0)>
module attributes {stable_mosaic.version = 14 : i64} {
  func.func @gather_kernel(%arg0: i32, %arg1: i32, %arg2: memref<100000x128xf32, #tpu.memory_space<hbm>>, %arg3: memref<204800xi32, #tpu.memory_space<hbm>>, %arg4: memref<204800x64xf32, #tpu.memory_space<hbm>>, %arg5: memref<160xi32, #tpu.memory_space<vmem>>, %arg6: memref<160xi32, #tpu.memory_space<vmem>>, %arg7: memref<160x128xf32, #tpu.memory_space<vmem>>, %arg8: memref<160x128xf32, #tpu.memory_space<vmem>>, %arg9: memref<160x64xf32, #tpu.memory_space<vmem>>, %arg10: memref<160x64xf32, #tpu.memory_space<vmem>>, %arg11: memref<!tpu.dma_semaphore, #tpu.memory_space<semaphore_mem>>, %arg12: memref<!tpu.dma_semaphore, #tpu.memory_space<semaphore_mem>>, %arg13: memref<!tpu.dma_semaphore, #tpu.memory_space<semaphore_mem>>, %arg14: memref<!tpu.dma_semaphore, #tpu.memory_space<semaphore_mem>>, %arg15: memref<!tpu.dma_semaphore, #tpu.memory_space<semaphore_mem>>, %arg16: memref<!tpu.dma_semaphore, #tpu.memory_space<semaphore_mem>>) attributes {dimension_semantics = [#tpu.dimension_semantics<core_parallel>, #tpu.dimension_semantics<subcore_parallel>], iteration_bounds = array<i64: 2, 16>, scalar_prefetch = 0 : i64, scratch_operands = 12 : i64, tpu.core_type = #tpu.core_type<sc_vector_subcore>, window_params = [{transform_indices = #map}, {transform_indices = #map1}, {transform_indices = #map}]} {
    %mul3A = arith.constant 2 : i32
    %mul3A_0 = arith.muli %arg1, %mul3A : i32
    %add3A = arith.addi %mul3A_0, %arg0 : i32
    %mul3A_1 = arith.constant 6400 : i32
    %mul3A_2 = arith.muli %add3A, %mul3A_1 : i32
    %add3A_3 = arith.constant 0 : i32
    %add3A_4 = arith.addi %mul3A_2, %add3A_3 : i32
    %dma_start3A = tpu.memref_slice %arg3[%add3A_4] : memref<204800xi32, #tpu.memory_space<hbm>> -> memref<160xi32, #tpu.memory_space<hbm>>
    %dma_start3A_5 = tpu.memref_slice %arg3[%add3A_4] : memref<204800xi32, #tpu.memory_space<hbm>> -> memref<160xi32, #tpu.memory_space<hbm>>
    tpu.enqueue_dma source(%dma_start3A_5 : memref<160xi32, #tpu.memory_space<hbm>>) target(%arg5 : memref<160xi32, #tpu.memory_space<vmem>>) target_semaphore(%arg11 : memref<!tpu.dma_semaphore, #tpu.memory_space<semaphore_mem>>)
    %dma_wait3A = tpu.memref_slice %arg3[%mul3A_2] : memref<204800xi32, #tpu.memory_space<hbm>> -> memref<160xi32, #tpu.memory_space<hbm>>
    %dma_wait3A_6 = tpu.memref_slice %arg3[%mul3A_2] : memref<204800xi32, #tpu.memory_space<hbm>> -> memref<160xi32, #tpu.memory_space<hbm>>
    tpu.wait_dma2 semaphore(%arg11 : memref<!tpu.dma_semaphore, #tpu.memory_space<semaphore_mem>>) src(%dma_wait3A_6 : memref<160xi32, #tpu.memory_space<hbm>>) dst(%arg5 : memref<160xi32, #tpu.memory_space<vmem>>)
    %dma_start3A_7 = arith.constant 0 : i32
    %dma_start3A_8 = arith.constant 0 : i32
    %dma_start3A_9 = tpu.memref_slice %arg2[%dma_start3A_7, %dma_start3A_8] : memref<100000x128xf32, #tpu.memory_space<hbm>> -> memref<100000x128xf32, #tpu.memory_space<hbm>>
    %dma_start3A_10 = arith.constant -1 : i32
    tpu.enqueue_indirect_dma source(%dma_start3A_9 : memref<100000x128xf32, #tpu.memory_space<hbm>>) target(%arg7 : memref<160x128xf32, #tpu.memory_space<vmem>>) offsets(%arg5 : memref<160xi32, #tpu.memory_space<vmem>>) offset_filter(%dma_start3A_10) semaphore(%arg13 : memref<!tpu.dma_semaphore, #tpu.memory_space<semaphore_mem>>)
    %add3A_11 = arith.constant 160 : i32
    %add3A_12 = arith.addi %mul3A_2, %add3A_11 : i32
    %dma_start3A_13 = tpu.memref_slice %arg3[%add3A_12] : memref<204800xi32, #tpu.memory_space<hbm>> -> memref<160xi32, #tpu.memory_space<hbm>>
    %dma_start3A_14 = tpu.memref_slice %arg3[%add3A_12] : memref<204800xi32, #tpu.memory_space<hbm>> -> memref<160xi32, #tpu.memory_space<hbm>>
    tpu.enqueue_dma source(%dma_start3A_14 : memref<160xi32, #tpu.memory_space<hbm>>) target(%arg6 : memref<160xi32, #tpu.memory_space<vmem>>) target_semaphore(%arg12 : memref<!tpu.dma_semaphore, #tpu.memory_space<semaphore_mem>>)
    %scan3A = arith.constant 0 : i32
    %scan3A_15 = arith.constant 20 : i32
    %scan3A_16 = arith.addi %scan3A, %scan3A_15 : i32
    %scan3A_17 = arith.constant 1 : i32
    scf.for %scan3A_27 = %scan3A to %scan3A_16 step %scan3A_17  : i32 {
      %mul3A_28 = arith.constant 1 : i32
      %mul3A_29 = arith.muli %scan3A_27, %mul3A_28 : i32
      %add3A_30 = arith.constant 0 : i32
      %add3A_31 = arith.addi %add3A_30, %mul3A_29 : i32
      %mul3A_32 = arith.constant 2 : i32
      %mul3A_33 = arith.muli %add3A_31, %mul3A_32 : i32
      %dma_wait3A_34 = arith.constant 0 : i32
      %dma_wait3A_35 = arith.constant 0 : i32
      %dma_wait3A_36 = tpu.memref_slice %arg2[%dma_wait3A_34, %dma_wait3A_35] : memref<100000x128xf32, #tpu.memory_space<hbm>> -> memref<100000x128xf32, #tpu.memory_space<hbm>>
      tpu.wait_indirect_dma semaphore(%arg13 : memref<!tpu.dma_semaphore, #tpu.memory_space<semaphore_mem>>) src(%dma_wait3A_36 : memref<100000x128xf32, #tpu.memory_space<hbm>>) dst(%arg7 : memref<160x128xf32, #tpu.memory_space<vmem>>)
      %dma_wait3A_37 = tpu.memref_slice %arg3[%mul3A_2] : memref<204800xi32, #tpu.memory_space<hbm>> -> memref<160xi32, #tpu.memory_space<hbm>>
      %dma_wait3A_38 = tpu.memref_slice %arg3[%mul3A_2] : memref<204800xi32, #tpu.memory_space<hbm>> -> memref<160xi32, #tpu.memory_space<hbm>>
      tpu.wait_dma2 semaphore(%arg12 : memref<!tpu.dma_semaphore, #tpu.memory_space<semaphore_mem>>) src(%dma_wait3A_38 : memref<160xi32, #tpu.memory_space<hbm>>) dst(%arg6 : memref<160xi32, #tpu.memory_space<vmem>>)
      %dma_start3A_39 = arith.constant 0 : i32
      %dma_start3A_40 = arith.constant 0 : i32
      %dma_start3A_41 = tpu.memref_slice %arg2[%dma_start3A_39, %dma_start3A_40] : memref<100000x128xf32, #tpu.memory_space<hbm>> -> memref<100000x128xf32, #tpu.memory_space<hbm>>
      %dma_start3A_42 = arith.constant -1 : i32
      tpu.enqueue_indirect_dma source(%dma_start3A_41 : memref<100000x128xf32, #tpu.memory_space<hbm>>) target(%arg8 : memref<160x128xf32, #tpu.memory_space<vmem>>) offsets(%arg6 : memref<160xi32, #tpu.memory_space<vmem>>) offset_filter(%dma_start3A_42) semaphore(%arg14 : memref<!tpu.dma_semaphore, #tpu.memory_space<semaphore_mem>>)
      %add3A_43 = arith.constant 2 : i32
      %add3A_44 = arith.addi %mul3A_33, %add3A_43 : i32
      %lt3A = arith.constant 40 : i32
      %lt3A_45 = arith.cmpi slt, %add3A_44, %lt3A : i32
      %convert_element_type3A = arith.extui %lt3A_45 : i1 to i32
      %cond3A = arith.constant 0 : i32
      %cond3A_46 = arith.cmpi ne, %convert_element_type3A, %cond3A : i32
      scf.if %cond3A_46 {
        %add3A_99 = arith.constant 2 : i32
        %add3A_100 = arith.addi %mul3A_33, %add3A_99 : i32
        %mul3A_101 = arith.constant 160 : i32
        %mul3A_102 = arith.muli %add3A_100, %mul3A_101 : i32
        %add3A_103 = arith.addi %mul3A_2, %mul3A_102 : i32
        %dma_start3A_104 = tpu.memref_slice %arg3[%add3A_103] : memref<204800xi32, #tpu.memory_space<hbm>> -> memref<160xi32, #tpu.memory_space<hbm>>
        %dma_start3A_105 = tpu.memref_slice %arg3[%add3A_103] : memref<204800xi32, #tpu.memory_space<hbm>> -> memref<160xi32, #tpu.memory_space<hbm>>
        tpu.enqueue_dma source(%dma_start3A_105 : memref<160xi32, #tpu.memory_space<hbm>>) target(%arg5 : memref<160xi32, #tpu.memory_space<vmem>>) target_semaphore(%arg11 : memref<!tpu.dma_semaphore, #tpu.memory_space<semaphore_mem>>)
      } else {
      }
      %ge3A = arith.constant 2 : i32
      %ge3A_47 = arith.cmpi sge, %mul3A_33, %ge3A : i32
      %convert_element_type3A_48 = arith.extui %ge3A_47 : i1 to i32
      %cond3A_49 = arith.constant 0 : i32
      %cond3A_50 = arith.cmpi ne, %convert_element_type3A_48, %cond3A_49 : i32
      scf.if %cond3A_50 {
        %dma_wait3A_99 = arith.constant 0 : i32
        %dma_wait3A_100 = tpu.memref_slice %arg4[%mul3A_2, %dma_wait3A_99] : memref<204800x64xf32, #tpu.memory_space<hbm>> -> memref<160x64xf32, #tpu.memory_space<hbm>>
        %dma_wait3A_101 = arith.constant 0 : i32
        %dma_wait3A_102 = tpu.memref_slice %arg4[%mul3A_2, %dma_wait3A_101] : memref<204800x64xf32, #tpu.memory_space<hbm>> -> memref<160x64xf32, #tpu.memory_space<hbm>>
        tpu.wait_dma2 semaphore(%arg15 : memref<!tpu.dma_semaphore, #tpu.memory_space<semaphore_mem>>) src(%arg9 : memref<160x64xf32, #tpu.memory_space<vmem>>) dst(%dma_wait3A_102 : memref<160x64xf32, #tpu.memory_space<hbm>>)
      } else {
      }
      %scan3A_51 = arith.constant 0 : i32
      %scan3A_52 = arith.constant 160 : i32
      %scan3A_53 = arith.addi %scan3A_51, %scan3A_52 : i32
      %scan3A_54 = arith.constant 1 : i32
      scf.for %scan3A_99 = %scan3A_51 to %scan3A_53 step %scan3A_54  : i32 {
        %mul3A_100 = arith.constant 1 : i32
        %mul3A_101 = arith.muli %scan3A_99, %mul3A_100 : i32
        %add3A_102 = arith.constant 0 : i32
        %add3A_103 = arith.addi %add3A_102, %mul3A_101 : i32
        %get3A = arith.index_cast %add3A_103 : i32 to index
        %get3A_104 = arith.constant 0 : index
        %get3A_105 = tpu.vector_load %arg7[%get3A, %get3A_104] {strides = array<i32>} : memref<160x128xf32, #tpu.memory_space<vmem>>, vector<1x16xf32>,
        %get3A_106 = vector.shape_cast %get3A_105 : vector<1x16xf32> to vector<16xf32>
        %swap3A = arith.index_cast %add3A_103 : i32 to index
        %swap3A_107 = arith.constant 0 : index
        %swap3A_108 = tpu.vector_load %arg9[%swap3A, %swap3A_107] {strides = array<i32>} : memref<160x64xf32, #tpu.memory_space<vmem>>, vector<1x16xf32>,
        %swap3A_109 = vector.shape_cast %swap3A_108 : vector<1x16xf32> to vector<16xf32>
        %swap3A_110 = vector.shape_cast %get3A_106 : vector<16xf32> to vector<1x16xf32>
        tpu.vector_store %arg9[%swap3A, %swap3A_107], %swap3A_110 {strides = array<i32>} : memref<160x64xf32, #tpu.memory_space<vmem>>, vector<1x16xf32>,
        %get3A_111 = arith.index_cast %add3A_103 : i32 to index
        %get3A_112 = arith.constant 16 : index
        %get3A_113 = tpu.vector_load %arg7[%get3A_111, %get3A_112] {strides = array<i32>} : memref<160x128xf32, #tpu.memory_space<vmem>>, vector<1x16xf32>,
        %get3A_114 = vector.shape_cast %get3A_113 : vector<1x16xf32> to vector<16xf32>
        %swap3A_115 = arith.index_cast %add3A_103 : i32 to index
        %swap3A_116 = arith.constant 16 : index
        %swap3A_117 = tpu.vector_load %arg9[%swap3A_115, %swap3A_116] {strides = array<i32>} : memref<160x64xf32, #tpu.memory_space<vmem>>, vector<1x16xf32>,
        %swap3A_118 = vector.shape_cast %swap3A_117 : vector<1x16xf32> to vector<16xf32>
        %swap3A_119 = vector.shape_cast %get3A_114 : vector<16xf32> to vector<1x16xf32>
        tpu.vector_store %arg9[%swap3A_115, %swap3A_116], %swap3A_119 {strides = array<i32>} : memref<160x64xf32, #tpu.memory_space<vmem>>, vector<1x16xf32>,
        %get3A_120 = arith.index_cast %add3A_103 : i32 to index
        %get3A_121 = arith.constant 32 : index
        %get3A_122 = tpu.vector_load %arg7[%get3A_120, %get3A_121] {strides = array<i32>} : memref<160x128xf32, #tpu.memory_space<vmem>>, vector<1x16xf32>,
        %get3A_123 = vector.shape_cast %get3A_122 : vector<1x16xf32> to vector<16xf32>
        %swap3A_124 = arith.index_cast %add3A_103 : i32 to index
        %swap3A_125 = arith.constant 32 : index
        %swap3A_126 = tpu.vector_load %arg9[%swap3A_124, %swap3A_125] {strides = array<i32>} : memref<160x64xf32, #tpu.memory_space<vmem>>, vector<1x16xf32>,
        %swap3A_127 = vector.shape_cast %swap3A_126 : vector<1x16xf32> to vector<16xf32>
        %swap3A_128 = vector.shape_cast %get3A_123 : vector<16xf32> to vector<1x16xf32>
        tpu.vector_store %arg9[%swap3A_124, %swap3A_125], %swap3A_128 {strides = array<i32>} : memref<160x64xf32, #tpu.memory_space<vmem>>, vector<1x16xf32>,
        %get3A_129 = arith.index_cast %add3A_103 : i32 to index
        %get3A_130 = arith.constant 48 : index
        %get3A_131 = tpu.vector_load %arg7[%get3A_129, %get3A_130] {strides = array<i32>} : memref<160x128xf32, #tpu.memory_space<vmem>>, vector<1x16xf32>,
        %get3A_132 = vector.shape_cast %get3A_131 : vector<1x16xf32> to vector<16xf32>
        %swap3A_133 = arith.index_cast %add3A_103 : i32 to index
        %swap3A_134 = arith.constant 48 : index
        %swap3A_135 = tpu.vector_load %arg9[%swap3A_133, %swap3A_134] {strides = array<i32>} : memref<160x64xf32, #tpu.memory_space<vmem>>, vector<1x16xf32>,
        %swap3A_136 = vector.shape_cast %swap3A_135 : vector<1x16xf32> to vector<16xf32>
        %swap3A_137 = vector.shape_cast %get3A_132 : vector<16xf32> to vector<1x16xf32>
        tpu.vector_store %arg9[%swap3A_133, %swap3A_134], %swap3A_137 {strides = array<i32>} : memref<160x64xf32, #tpu.memory_space<vmem>>, vector<1x16xf32>,
      }
      %scan3A_55 = arith.constant 160 : i32
      %mul3A_56 = arith.constant 160 : i32
      %mul3A_57 = arith.muli %mul3A_33, %mul3A_56 : i32
      %add3A_58 = arith.addi %mul3A_2, %mul3A_57 : i32
      %dma_start3A_59 = arith.constant 0 : i32
      %dma_start3A_60 = tpu.memref_slice %arg4[%add3A_58, %dma_start3A_59] : memref<204800x64xf32, #tpu.memory_space<hbm>> -> memref<160x64xf32, #tpu.memory_space<hbm>>
      %dma_start3A_61 = arith.constant 0 : i32
      %dma_start3A_62 = tpu.memref_slice %arg4[%add3A_58, %dma_start3A_61] : memref<204800x64xf32, #tpu.memory_space<hbm>> -> memref<160x64xf32, #tpu.memory_space<hbm>>
      tpu.enqueue_dma source(%arg9 : memref<160x64xf32, #tpu.memory_space<vmem>>) target(%dma_start3A_62 : memref<160x64xf32, #tpu.memory_space<hbm>>) target_semaphore(%arg15 : memref<!tpu.dma_semaphore, #tpu.memory_space<semaphore_mem>>)
      %dma_wait3A_63 = arith.constant 0 : i32
      %dma_wait3A_64 = arith.constant 0 : i32
      %dma_wait3A_65 = tpu.memref_slice %arg2[%dma_wait3A_63, %dma_wait3A_64] : memref<100000x128xf32, #tpu.memory_space<hbm>> -> memref<100000x128xf32, #tpu.memory_space<hbm>>
      tpu.wait_indirect_dma semaphore(%arg14 : memref<!tpu.dma_semaphore, #tpu.memory_space<semaphore_mem>>) src(%dma_wait3A_65 : memref<100000x128xf32, #tpu.memory_space<hbm>>) dst(%arg8 : memref<160x128xf32, #tpu.memory_space<vmem>>)
      %add3A_66 = arith.constant 2 : i32
      %add3A_67 = arith.addi %mul3A_33, %add3A_66 : i32
      %lt3A_68 = arith.constant 40 : i32
      %lt3A_69 = arith.cmpi slt, %add3A_67, %lt3A_68 : i32
      %convert_element_type3A_70 = arith.extui %lt3A_69 : i1 to i32
      %cond3A_71 = arith.constant 0 : i32
      %cond3A_72 = arith.cmpi ne, %convert_element_type3A_70, %cond3A_71 : i32
      scf.if %cond3A_72 {
        %dma_wait3A_99 = tpu.memref_slice %arg3[%mul3A_2] : memref<204800xi32, #tpu.memory_space<hbm>> -> memref<160xi32, #tpu.memory_space<hbm>>
        %dma_wait3A_100 = tpu.memref_slice %arg3[%mul3A_2] : memref<204800xi32, #tpu.memory_space<hbm>> -> memref<160xi32, #tpu.memory_space<hbm>>
        tpu.wait_dma2 semaphore(%arg11 : memref<!tpu.dma_semaphore, #tpu.memory_space<semaphore_mem>>) src(%dma_wait3A_100 : memref<160xi32, #tpu.memory_space<hbm>>) dst(%arg5 : memref<160xi32, #tpu.memory_space<vmem>>)
        %dma_start3A_101 = arith.constant 0 : i32
        %dma_start3A_102 = arith.constant 0 : i32
        %dma_start3A_103 = tpu.memref_slice %arg2[%dma_start3A_101, %dma_start3A_102] : memref<100000x128xf32, #tpu.memory_space<hbm>> -> memref<100000x128xf32, #tpu.memory_space<hbm>>
        %dma_start3A_104 = arith.constant -1 : i32
        tpu.enqueue_indirect_dma source(%dma_start3A_103 : memref<100000x128xf32, #tpu.memory_space<hbm>>) target(%arg7 : memref<160x128xf32, #tpu.memory_space<vmem>>) offsets(%arg5 : memref<160xi32, #tpu.memory_space<vmem>>) offset_filter(%dma_start3A_104) semaphore(%arg13 : memref<!tpu.dma_semaphore, #tpu.memory_space<semaphore_mem>>)
      } else {
      }
      %add3A_73 = arith.constant 3 : i32
      %add3A_74 = arith.addi %mul3A_33, %add3A_73 : i32
      %lt3A_75 = arith.constant 40 : i32
      %lt3A_76 = arith.cmpi slt, %add3A_74, %lt3A_75 : i32
      %convert_element_type3A_77 = arith.extui %lt3A_76 : i1 to i32
      %cond3A_78 = arith.constant 0 : i32
      %cond3A_79 = arith.cmpi ne, %convert_element_type3A_77, %cond3A_78 : i32
      scf.if %cond3A_79 {
        %add3A_99 = arith.constant 3 : i32
        %add3A_100 = arith.addi %mul3A_33, %add3A_99 : i32
        %mul3A_101 = arith.constant 160 : i32
        %mul3A_102 = arith.muli %add3A_100, %mul3A_101 : i32
        %add3A_103 = arith.addi %mul3A_2, %mul3A_102 : i32
        %dma_start3A_104 = tpu.memref_slice %arg3[%add3A_103] : memref<204800xi32, #tpu.memory_space<hbm>> -> memref<160xi32, #tpu.memory_space<hbm>>
        %dma_start3A_105 = tpu.memref_slice %arg3[%add3A_103] : memref<204800xi32, #tpu.memory_space<hbm>> -> memref<160xi32, #tpu.memory_space<hbm>>
        tpu.enqueue_dma source(%dma_start3A_105 : memref<160xi32, #tpu.memory_space<hbm>>) target(%arg6 : memref<160xi32, #tpu.memory_space<vmem>>) target_semaphore(%arg12 : memref<!tpu.dma_semaphore, #tpu.memory_space<semaphore_mem>>)
      } else {
      }
      %ge3A_80 = arith.constant 2 : i32
      %ge3A_81 = arith.cmpi sge, %mul3A_33, %ge3A_80 : i32
      %convert_element_type3A_82 = arith.extui %ge3A_81 : i1 to i32
      %cond3A_83 = arith.constant 0 : i32
      %cond3A_84 = arith.cmpi ne, %convert_element_type3A_82, %cond3A_83 : i32
      scf.if %cond3A_84 {
        %dma_wait3A_99 = arith.constant 0 : i32
        %dma_wait3A_100 = tpu.memref_slice %arg4[%mul3A_2, %dma_wait3A_99] : memref<204800x64xf32, #tpu.memory_space<hbm>> -> memref<160x64xf32, #tpu.memory_space<hbm>>
        %dma_wait3A_101 = arith.constant 0 : i32
        %dma_wait3A_102 = tpu.memref_slice %arg4[%mul3A_2, %dma_wait3A_101] : memref<204800x64xf32, #tpu.memory_space<hbm>> -> memref<160x64xf32, #tpu.memory_space<hbm>>
        tpu.wait_dma2 semaphore(%arg16 : memref<!tpu.dma_semaphore, #tpu.memory_space<semaphore_mem>>) src(%arg10 : memref<160x64xf32, #tpu.memory_space<vmem>>) dst(%dma_wait3A_102 : memref<160x64xf32, #tpu.memory_space<hbm>>)
      } else {
      }
      %scan3A_85 = arith.constant 0 : i32
      %scan3A_86 = arith.constant 160 : i32
      %scan3A_87 = arith.addi %scan3A_85, %scan3A_86 : i32
      %scan3A_88 = arith.constant 1 : i32
      scf.for %scan3A_99 = %scan3A_85 to %scan3A_87 step %scan3A_88  : i32 {
        %mul3A_100 = arith.constant 1 : i32
        %mul3A_101 = arith.muli %scan3A_99, %mul3A_100 : i32
        %add3A_102 = arith.constant 0 : i32
        %add3A_103 = arith.addi %add3A_102, %mul3A_101 : i32
        %get3A = arith.index_cast %add3A_103 : i32 to index
        %get3A_104 = arith.constant 0 : index
        %get3A_105 = tpu.vector_load %arg8[%get3A, %get3A_104] {strides = array<i32>} : memref<160x128xf32, #tpu.memory_space<vmem>>, vector<1x16xf32>,
        %get3A_106 = vector.shape_cast %get3A_105 : vector<1x16xf32> to vector<16xf32>
        %swap3A = arith.index_cast %add3A_103 : i32 to index
        %swap3A_107 = arith.constant 0 : index
        %swap3A_108 = tpu.vector_load %arg10[%swap3A, %swap3A_107] {strides = array<i32>} : memref<160x64xf32, #tpu.memory_space<vmem>>, vector<1x16xf32>,
        %swap3A_109 = vector.shape_cast %swap3A_108 : vector<1x16xf32> to vector<16xf32>
        %swap3A_110 = vector.shape_cast %get3A_106 : vector<16xf32> to vector<1x16xf32>
        tpu.vector_store %arg10[%swap3A, %swap3A_107], %swap3A_110 {strides = array<i32>} : memref<160x64xf32, #tpu.memory_space<vmem>>, vector<1x16xf32>,
        %get3A_111 = arith.index_cast %add3A_103 : i32 to index
        %get3A_112 = arith.constant 16 : index
        %get3A_113 = tpu.vector_load %arg8[%get3A_111, %get3A_112] {strides = array<i32>} : memref<160x128xf32, #tpu.memory_space<vmem>>, vector<1x16xf32>,
        %get3A_114 = vector.shape_cast %get3A_113 : vector<1x16xf32> to vector<16xf32>
        %swap3A_115 = arith.index_cast %add3A_103 : i32 to index
        %swap3A_116 = arith.constant 16 : index
        %swap3A_117 = tpu.vector_load %arg10[%swap3A_115, %swap3A_116] {strides = array<i32>} : memref<160x64xf32, #tpu.memory_space<vmem>>, vector<1x16xf32>,
        %swap3A_118 = vector.shape_cast %swap3A_117 : vector<1x16xf32> to vector<16xf32>
        %swap3A_119 = vector.shape_cast %get3A_114 : vector<16xf32> to vector<1x16xf32>
        tpu.vector_store %arg10[%swap3A_115, %swap3A_116], %swap3A_119 {strides = array<i32>} : memref<160x64xf32, #tpu.memory_space<vmem>>, vector<1x16xf32>,
        %get3A_120 = arith.index_cast %add3A_103 : i32 to index
        %get3A_121 = arith.constant 32 : index
        %get3A_122 = tpu.vector_load %arg8[%get3A_120, %get3A_121] {strides = array<i32>} : memref<160x128xf32, #tpu.memory_space<vmem>>, vector<1x16xf32>,
        %get3A_123 = vector.shape_cast %get3A_122 : vector<1x16xf32> to vector<16xf32>
        %swap3A_124 = arith.index_cast %add3A_103 : i32 to index
        %swap3A_125 = arith.constant 32 : index
        %swap3A_126 = tpu.vector_load %arg10[%swap3A_124, %swap3A_125] {strides = array<i32>} : memref<160x64xf32, #tpu.memory_space<vmem>>, vector<1x16xf32>,
        %swap3A_127 = vector.shape_cast %swap3A_126 : vector<1x16xf32> to vector<16xf32>
        %swap3A_128 = vector.shape_cast %get3A_123 : vector<16xf32> to vector<1x16xf32>
        tpu.vector_store %arg10[%swap3A_124, %swap3A_125], %swap3A_128 {strides = array<i32>} : memref<160x64xf32, #tpu.memory_space<vmem>>, vector<1x16xf32>,
        %get3A_129 = arith.index_cast %add3A_103 : i32 to index
        %get3A_130 = arith.constant 48 : index
        %get3A_131 = tpu.vector_load %arg8[%get3A_129, %get3A_130] {strides = array<i32>} : memref<160x128xf32, #tpu.memory_space<vmem>>, vector<1x16xf32>,
        %get3A_132 = vector.shape_cast %get3A_131 : vector<1x16xf32> to vector<16xf32>
        %swap3A_133 = arith.index_cast %add3A_103 : i32 to index
        %swap3A_134 = arith.constant 48 : index
        %swap3A_135 = tpu.vector_load %arg10[%swap3A_133, %swap3A_134] {strides = array<i32>} : memref<160x64xf32, #tpu.memory_space<vmem>>, vector<1x16xf32>,
        %swap3A_136 = vector.shape_cast %swap3A_135 : vector<1x16xf32> to vector<16xf32>
        %swap3A_137 = vector.shape_cast %get3A_132 : vector<16xf32> to vector<1x16xf32>
        tpu.vector_store %arg10[%swap3A_133, %swap3A_134], %swap3A_137 {strides = array<i32>} : memref<160x64xf32, #tpu.memory_space<vmem>>, vector<1x16xf32>,
      }
      %scan3A_89 = arith.constant 160 : i32
      %add3A_90 = arith.constant 1 : i32
      %add3A_91 = arith.addi %mul3A_33, %add3A_90 : i32
      %mul3A_92 = arith.constant 160 : i32
      %mul3A_93 = arith.muli %add3A_91, %mul3A_92 : i32
      %add3A_94 = arith.addi %mul3A_2, %mul3A_93 : i32
      %dma_start3A_95 = arith.constant 0 : i32
      %dma_start3A_96 = tpu.memref_slice %arg4[%add3A_94, %dma_start3A_95] : memref<204800x64xf32, #tpu.memory_space<hbm>> -> memref<160x64xf32, #tpu.memory_space<hbm>>
      %dma_start3A_97 = arith.constant 0 : i32
      %dma_start3A_98 = tpu.memref_slice %arg4[%add3A_94, %dma_start3A_97] : memref<204800x64xf32, #tpu.memory_space<hbm>> -> memref<160x64xf32, #tpu.memory_space<hbm>>
      tpu.enqueue_dma source(%arg10 : memref<160x64xf32, #tpu.memory_space<vmem>>) target(%dma_start3A_98 : memref<160x64xf32, #tpu.memory_space<hbm>>) target_semaphore(%arg16 : memref<!tpu.dma_semaphore, #tpu.memory_space<semaphore_mem>>)
    }
    %scan3A_18 = arith.constant 20 : i32
    %dma_wait3A_19 = arith.constant 0 : i32
    %dma_wait3A_20 = tpu.memref_slice %arg4[%mul3A_2, %dma_wait3A_19] : memref<204800x64xf32, #tpu.memory_space<hbm>> -> memref<160x64xf32, #tpu.memory_space<hbm>>
    %dma_wait3A_21 = arith.constant 0 : i32
    %dma_wait3A_22 = tpu.memref_slice %arg4[%mul3A_2, %dma_wait3A_21] : memref<204800x64xf32, #tpu.memory_space<hbm>> -> memref<160x64xf32, #tpu.memory_space<hbm>>
    tpu.wait_dma2 semaphore(%arg15 : memref<!tpu.dma_semaphore, #tpu.memory_space<semaphore_mem>>) src(%arg9 : memref<160x64xf32, #tpu.memory_space<vmem>>) dst(%dma_wait3A_22 : memref<160x64xf32, #tpu.memory_space<hbm>>)
    %dma_wait3A_23 = arith.constant 0 : i32
    %dma_wait3A_24 = tpu.memref_slice %arg4[%mul3A_2, %dma_wait3A_23] : memref<204800x64xf32, #tpu.memory_space<hbm>> -> memref<160x64xf32, #tpu.memory_space<hbm>>
    %dma_wait3A_25 = arith.constant 0 : i32
    %dma_wait3A_26 = tpu.memref_slice %arg4[%mul3A_2, %dma_wait3A_25] : memref<204800x64xf32, #tpu.memory_space<hbm>> -> memref<160x64xf32, #tpu.memory_space<hbm>>
    tpu.wait_dma2 semaphore(%arg16 : memref<!tpu.dma_semaphore, #tpu.memory_space<semaphore_mem>>) src(%arg10 : memref<160x64xf32, #tpu.memory_space<vmem>>) dst(%dma_wait3A_26 : memref<160x64xf32, #tpu.memory_space<hbm>>)
    return
  }
}

module attributes {stable_mosaic.version = 14 : i64} {
  func.func @_pad_body(%arg0: i32, %arg1: memref<5000x64xf32, #tpu.memory_space<vmem>>, %arg2: memref<5000x128xf32, #tpu.memory_space<vmem>>) attributes {dimension_semantics = [#tpu.dimension_semantics<arbitrary>], iteration_bounds = array<i64: 20>, scalar_prefetch = 0 : i64, scratch_operands = 0 : i64, tpu.core_type = #tpu.core_type<tc>, window_params = [{transform_indices = @transform_0, window_bounds = array<i64: 5000, 64>}, {transform_indices = @transform_1, window_bounds = array<i64: 5000, 128>}]} {
    %get3A = arith.constant 0 : index
    %get3A_0 = arith.constant 0 : index
    %get3A_1 = vector.load %arg1[%get3A, %get3A_0] : memref<5000x64xf32, #tpu.memory_space<vmem>>, vector<5000x64xf32>
    %swap3A = arith.constant 0 : index
    %swap3A_2 = arith.constant 0 : index
    %swap3A_3 = vector.load %arg2[%swap3A, %swap3A_2] : memref<5000x128xf32, #tpu.memory_space<vmem>>, vector<5000x64xf32>
    tpu.vector_store %arg2[%swap3A, %swap3A_2], %get3A_1 {strides = array<i32>} : memref<5000x128xf32, #tpu.memory_space<vmem>>, vector<5000x64xf32>,
    %broadcast_in_dim3A = arith.constant 0.000000e+00 : f32
    %broadcast_in_dim3A_4 = vector.broadcast %broadcast_in_dim3A : f32 to vector<5000x64xf32>
    %swap3A_5 = arith.constant 0 : index
    %swap3A_6 = arith.constant 64 : index
    %swap3A_7 = vector.load %arg2[%swap3A_5, %swap3A_6] : memref<5000x128xf32, #tpu.memory_space<vmem>>, vector<5000x64xf32>
    tpu.vector_store %arg2[%swap3A_5, %swap3A_6], %broadcast_in_dim3A_4 {strides = array<i32>} : memref<5000x128xf32, #tpu.memory_space<vmem>>, vector<5000x64xf32>,
    return
  }
  func.func @transform_0(%arg0: i32) -> (i32, i32) {
    %c0_i32 = arith.constant 0 : i32
    %c0_i32_0 = arith.constant 0 : i32
    return %arg0, %c0_i32 : i32, i32
  }
  func.func @transform_1(%arg0: i32) -> (i32, i32) {
    %c0_i32 = arith.constant 0 : i32
    %c0_i32_0 = arith.constant 0 : i32
    return %arg0, %c0_i32 : i32, i32
  }
}

</mosaic_0001>

<sc_bundles>
// kernel: kernel.4.cloned.1.call-start
scs
__scs_entry_jumppad:
0x0: {  	(pc) =	sbr.rel $0x88, $3  }
0x1: {  	(tag) =	ssettag $0x0;
	lr =	simm.s32 $0x1  }
0x2: {  	[smem:$0x3F9F] =	sst lr;
	_ =	strace $0xD0000000  }
0x3: {  	_ = 	snop  }
0x4: {  	_ = 	snop  }
0x5: {  	_ = 	snop  }
0x6: {  	_ = 	snop  }
0x7: {  	_ = 	snop  }
__scs_overlays_trampoline_lowered:
0x8: {  	[smem:$0x3FAE] =	sst s0  }
0x9: {  	[smem:$0x3FAF] =	sst s1  }
0xa: {  	[smem:$0x3FB0] =	sst s2  }
0xb: {  	[smem:$0x3FB1] =	sst s3  }
0xc: {  	[smem:$0x3FB2] =	sst s4  }
0xd: {  	[smem:$0x3FB3] =	sst s5  }
0xe: {  	[smem:$0x3FB4] =	sst s6  }
0xf: {  	[smem:$0x3FB5] =	sst s7  }
0x10: {  	[smem:$0x3FB6] =	sst s8  }
0x11: {  	[smem:$0x3FB7] =	sst s9;
	s0 =	simm.s32 @!p0 $0x0  }
0x12: {  	s1 =	sld [smem:$0x3F9D];
	s0 =	simm.s32 @p0 $0x1  }
0x13: {  	[smem:$0x3FB8] =	sst s0;
	s0 =	simm.s32 @!p1 $0x0  }
0x14: {  	s2 =	sld [smem:$0x3F9C];
	s0 =	simm.s32 @p1 $0x1  }
0x15: {  	[smem:$0x3FB9] =	sst s0;
	s0 =	simm.s32 @!p2 $0x0  }
0x16: {  	s3 =	sld [smem:$0x3FDB];
	s0 =	simm.s32 @p2 $0x1  }
0x17: {  	s4 =	simm.s32 $0x1BF5;
	[smem:$0x3FBB] =	sst s0  }
0x18: {  	s0 =	sld [smem:$0x3F9E];
	_ =	swait.ge [sflag:s4], $0x0  }
0x19: {  	s7 =	sld [smem:$0x3F9F]  }
0x1a: {  	s8 =	sadd.s32 $0xFFFFE003, lr  }
0x1b: {  	s9 =	sadd.s32 $0xFFFFFEF7, lr;
	s5 =	simm.s32 $0xFFFFFFFF;
	p2 =	slt.u32 s8, $0xFFFFF086  }
0x1c: {  	p1 =	slt.u32 s9, $0xF7A;
	s5 =	simm.s32 @!p2 $0x0  }
0x1d: {  	s5 =	simm.s32 @p1 $0x1;
	p0 =	seq.s32 s7, s2  }
0x1e: {  	s7 =	smul.u32 @!p0 $0xF7A, s2;
	p2 =	seq.s32 @!p0 s5, $0x0  }
0x1f: {  	s9 =	smul.u32 $0xF7A, s1;
	s8 =	simm.s32 @!p0 $0x1BF5;
	p2 =	por !p2, p0  }
0x20: {  	[sflag:s8] =	ssyncset.s32 @!p0 $0xFFFFF086;
	s6 =	sadd.s32 @!p0 s3, s7;
	s7 =	simm.s32 @!p0 $0x108  }
0x21: {  	s3 =	sadd.s32 s3, s9;
	s6 =	sadd.s32 @!p0 $0x88, s6;
	s7 =	simm.s32 @p2 $0x1082  }
0x22: {  	[simem:s7], [sflag:s8] =	dma.local @!p0 [hbm:s6], $0xF7A  }
0x23: {  	s9 =	sor.u32 $0xD0000000, s2;
	s6 =	simm.s32 $0x108;
	_ =	swait.ge @!p0 [sflag:s8], $0x0  }
0x24: {  	s3 =	sadd.s32 $0x88, s3;
	s6 =	simm.s32 @!p1 $0x1082;
	[sflag:s4] =	ssyncset.s32 $0xFFFFF086  }
0x25: {  	[simem:s6], [sflag:s4] =	dma.local [hbm:s3], $0xF7A  }
0x26: {  	[smem:$0x3F9F] =	sst s1;
	(tag) =	ssettag s2;
	_ =	strace s9  }
0x27: {  	s1 =	sld [smem:$0x3FAF]  }
0x28: {  	s2 =	sld [smem:$0x3FB0]  }
0x29: {  	s4 =	sld [smem:$0x3FB2]  }
0x2a: {  	p0 =	seq.s32 s5, $0x0;
	s5 =	sld [smem:$0x3FB3]  }
0x2b: {  	s6 =	sld [smem:$0x3FB4]  }
0x2c: {  	s7 =	sld [smem:$0x3FB5]  }
0x2d: {  	s3 =	simm.s32 $0x108;
	s8 =	sld [smem:$0x3FB6]  }
0x2e: {  	s3 =	simm.s32 @!p0 $0x1082;
	s9 =	sld [smem:$0x3FB7]  }
0x2f: {  	lr =	sadd.s32 s0, s3;
	s0 =	sld [smem:$0x3FAE]  }
0x30: {  	s3 =	sld [smem:$0x3FB1]  }
0x31: {  	[smem:$0x3FBA] =	sst s10  }
0x32: {  	s10 =	sld [smem:$0x3FB8];
	_ =	sdelay $0x3  }
0x33: {  	p0 =	seq.s32 s10, $0x1;
	s10 =	sld [smem:$0x3FBA];
	_ =	sdelay $0x3  }
0x34: {  	[smem:$0x3FBA] =	sst s10  }
0x35: {  	s10 =	sld [smem:$0x3FB9];
	_ =	sdelay $0x3  }
0x36: {  	p1 =	seq.s32 s10, $0x1;
	s10 =	sld [smem:$0x3FBA];
	_ =	sdelay $0x3  }
0x37: {  	[smem:$0x3FBA] =	sst s10  }
0x38: {  	s10 =	sld [smem:$0x3FBB]  }
0x39: {  	_ = 	snop;
	(pc) =	sbr.ind lr, $3  }
0x3a: {  	_ = 	snop  }
0x3b: {  	_ = 	snop  }
0x3c: {  	p2 =	seq.s32 s10, $0x1;
	s10 =	sld [smem:$0x3FBA]  }
0x3d: {  	_ =	shalt  }
0x3e: {  	_ =	shalt  }
0x3f: {  	_ =	shalt  }
0x40: {  	_ =	shalt  }
0x41: {  	_ =	shalt  }
0x42: {  	_ =	shalt  }
0x43: {  	_ =	shalt  }
0x44: {  	_ =	shalt  }
0x45: {  	_ =	shalt  }
0x46: {  	_ =	shalt  }
0x47: {  	_ =	shalt  }
0x48: {  	_ =	shalt  }
0x49: {  	_ =	shalt  }
0x4a: {  	_ =	shalt  }
0x4b: {  	_ =	shalt  }
0x4c: {  	_ =	shalt  }
0x4d: {  	_ =	shalt  }
0x4e: {  	_ =	shalt  }
0x4f: {  	_ =	shalt  }
0x50: {  	_ =	shalt  }
0x51: {  	_ =	shalt  }
0x52: {  	_ =	shalt  }
0x53: {  	_ =	shalt  }
0x54: {  	_ =	shalt  }
0x55: {  	_ =	shalt  }
0x56: {  	_ =	shalt  }
0x57: {  	_ =	shalt  }
0x58: {  	_ =	shalt  }
0x59: {  	_ =	shalt  }
0x5a: {  	_ =	shalt  }
0x5b: {  	_ =	shalt  }
0x5c: {  	_ =	shalt  }
0x5d: {  	_ =	shalt  }
0x5e: {  	_ =	shalt  }
0x5f: {  	_ =	shalt  }
0x60: {  	_ =	shalt  }
0x61: {  	_ =	shalt  }
0x62: {  	_ =	shalt  }
0x63: {  	_ =	shalt  }
0x64: {  	_ =	shalt  }
0x65: {  	_ =	shalt  }
0x66: {  	_ =	shalt  }
0x67: {  	_ =	shalt  }
0x68: {  	_ =	shalt  }
0x69: {  	_ =	shalt  }
0x6a: {  	_ =	shalt  }
0x6b: {  	_ =	shalt  }
0x6c: {  	_ =	shalt  }
0x6d: {  	_ =	shalt  }
0x6e: {  	_ =	shalt  }
0x6f: {  	_ =	shalt  }
0x70: {  	_ =	shalt  }
0x71: {  	_ =	shalt  }
0x72: {  	_ =	shalt  }
0x73: {  	_ =	shalt  }
0x74: {  	_ =	shalt  }
0x75: {  	_ =	shalt  }
0x76: {  	_ =	shalt  }
0x77: {  	_ =	shalt  }
0x78: {  	_ =	shalt  }
0x79: {  	_ =	shalt  }
0x7a: {  	_ =	shalt  }
0x7b: {  	_ =	shalt  }
0x7c: {  	_ =	shalt  }
0x7d: {  	_ =	shalt  }
0x7e: {  	_ =	shalt  }
0x7f: {  	_ =	shalt  }
0x80: {  	_ =	shalt  }
0x81: {  	_ =	shalt  }
0x82: {  	_ =	shalt  }
0x83: {  	_ =	shalt  }
0x84: {  	_ =	shalt  }
0x85: {  	_ =	shalt  }
0x86: {  	_ =	shalt  }
0x87: {  	_ =	shalt  }
.Lfunc_end0:
.L_simem_size_0:
called_computation.1_lowered:
.L_overlay_start_0:
0x88: {  	s2 =	sld [smem:$0x3FD9]  }
0x89: {  	s3 =	sld [smem:$0x3FFE];
	_ =	sdelay $0x1  }
0x8a: {  	s1 =	srdreg.scid  }
0x8b: {  	s0 =	sand.u32 $0x1, s1  }
0x8c: {  	s16 =	sshll.u32 s0, $0xA;
	s2 =	sadd.s32 s3, s2  }
0x8d: {  	s2 =	sadd.s32 s2, s16  }
0x8e: {  	[smem:$0x3FC6] =	sst s2  }
0x8f: {  	_ = 	snop  }
0x90: {  	(tm) =	ssettm $0x1  }
0x91: {  	s17 =	sld [smem:$0x3FFB];
	_ =	sdelay $0x3  }
0x92: {  	_ =	strace s17  }
0x93: {  	s2 =	sld [smem:$0x3FFC];
	_ =	sdelay $0x3  }
0x94: {  	_ =	strace s2  }
0x95: {  	s2 =	sld [smem:$0x3FFD];
	_ =	sdelay $0x3  }
0x96: {  	_ =	strace s2  }
0x97: {  	_ =	strace $0x8FFFFFFF  }
0x98: {  	s18 =	sld [smem:$0x3FDB];
	_ =	sdelay $0x1  }
0x99: {  	s19 =	simm.s32 $_scs_section_size  }
0x9a: {  	s4 =	simm.s32 $_size__tile_overlayer_lowered;
	s5 =	simm.s32 $_tile_overlayer_lowered  }
0x9b: {  	s22 =	simm.s32 $0x1BFF;
	s21 =	sshll.u32 s5, $0x1;
	s2 =	sadd.s32 s19, s18  }
0x9c: {  	s6 =	simm.s32 $0x0;
	s20 =	sshll.u32 s4, $0x1;
	s4 =	sadd.s32 s21, s2  }
0x9d: {  	[timem:s6], [sflag:s22] =	dma.local [hbm:s4], s20  }
0x9e: {  	_ =	swait.ge [sflag:s22], s20  }
0x9f: {  	s3 =	ssub.s32 $0x0, s20;
	[sflag:s22] =	ssyncset.done $0x0  }
0xa0: {  	[sflag:s22] =	ssyncadd.s32 s3;
	_ =	sdelay $0x1  }
0xa1: {  	s23 =	simm.s32 $0x1B8B  }
0xa2: {  	_ =	swait.ge [sflag:s23], $0x1  }
0xa3: {  	[sflag:s23] =	ssyncset.done $0x0  }
0xa4: {  	s25 =	simm.s32 $0x1B8E;
	s24 =	sld [smem:$0x3FFE];
	[sflag:s23] =	ssyncadd.s32 $0xFFFFFFFF  }
0xa5: {  	s26 =	simm.s32 $execute0_lowered;
	[smem:$0x3FD2] =	sst s25  }
0xa6: {  	s4 =	sshll.u32 s26, $0x1;
	_ =	strace $0x80000046;
	[dreg:$0x1] =	wrdreg $0xFFFFFFFF  }
0xa7: {  	s28 =	simm.s32 $_size_execute0_lowered;
	s2 =	sadd.s32 s2, s4;
	[dreg:$0x0] =	wrdreg $0x0  }
0xa8: {  	s4 =	sshll.u32 s28, $0x1;
	[dreg:$0x2] =	wrdreg s2  }
0xa9: {  	[dreg:$0x3] =	wrdreg s4  }
0xaa: {  	[dreg:$0x4] =	wrdreg $0xC0  }
0xab: {  	_ =	task [dreg:s6], $0x5FFFF  }
0xac: {  	[dreg:$0x1] =	wrdreg $0xFFFFFFFF  }
0xad: {  	[dreg:$0x0] =	wrdreg $0x60  }
0xae: {  	[dreg:$0x2] =	wrdreg s24  }
0xaf: {  	[dreg:$0x3] =	wrdreg $0x9  }
0xb0: {  	_ =	task.clear_ibuf [dreg:s6], $0x4FFFF;
	_ =	strace $0x90000046  }
0xb1: {  	s29 =	simm.s32 $0x9;
	_ =	strace $0x80000048  }
0xb2: {  	_ =	swait.ge [sflag:s29], $0x1  }
0xb3: {  	[sflag:s29] =	ssyncadd.s32 $0xFFFFFFFF  }
0xb4: {  	_ =	strace $0x90000048  }
0xb5: {  	_ =	sfence  }
0xb6: {  	s30 =	sld [smem:$0x0];
	_ =	sdelay $0x2  }
0xb7: {  	s31 =	sshll.u32 s1, $0xD;
	s1 =	sshrl.u32 s1, $0x2  }
0xb8: {  	s3 =	sand.u32 $0x4000, s31;
	s1 =	sadd.s32 s1, s30  }
0xb9: {  	s0 =	sor.u32 s3, s0;
	s1 =	sshll.u32 s1, $0x11  }
0xba: {  	s0 =	sor.u32 s1, s0  }
0xbb: {  	s0 =	sadd.s32 $0x8F2B, s0  }
0xbc: {  	[sflag:s0] =	ssyncadd.remote.s32 $0x1  }
0xbd: {  	_ =	sfence.sel $0xFFFF  }
0xbe: {  	[dreg:$0x0] =	wrdreg $0xFFFFFFFF;
	(pc) =	sbr.abs _section_cstart, $3  }
0xbf: {  	[dreg:$0x1] =	wrdreg $0xFFFFFFFF  }
0xc0: {  	_ =	task.clear_ibuf [dreg:s6], $0x2FFFF;
	_ =	strace $0x9FFFFFFF  }
0xc1: {  	(tm) =	ssettm $0x7FFFFFFF  }
tec
execute0_lowered:
.L_overlay_start_1:
0x0: {  	(tag) =	ssettag $0x1  }
0x1: {  	s1 =	srdreg.scid  }
0x2: {  	s0 =	stileid.u32;
	s6 =	rddreg [dreg:$0x0];
	s2 =	simm.s32 $0x0  }
0x3: {  	s13 =	simm.s32 $0x1;
	s14 =	simm.s32 $0xA0;
	s15 =	simm.s32 $0x200  }
0x4: {  	s16 =	simm.s32 $0x100;
	s17 =	simm.s32 $0x3;
	s18 =	simm.s32 $0x2  }
0x5: {  	s19 =	simm.s32 $0x5200;
	s20 =	simm.s32 $0xA200;
	s21 =	simm.s32 $0x4  }
0x6: {  	s22 =	simm.s32 $0xF200;
	s23 =	simm.s32 $0x5;
	s24 =	simm.s32 $0x6  }
0x7: {  	s5 =	sand.u32 $0x1, s1;
	s3 =	sshll.u32 s0, $0x1;
	s1 =	rddreg [dreg:$0x1]  }
0x8: {  	s25 =	simm.s32 $0x0;
	[smem:$0x7FF] =	sst s2;
	s3 =	sor.u32 s5, s3  }
0x9: {  	s4 =	sadd.s32 $0x6C00, s6;
	s7 =	ssub.s32 $0x2, s5;
	s3 =	smul.u32 $0x1900, s3  }
0xa: {  	_ =	strace $0x80000047;
	s5 =	sadd.s32 $0x800, s6;
	s8 =	sshrl.u32 s7, $0x1  }
0xb: {  	s6 =	sadd.s32 $0x18D600, s6;
	s12 =	ssub.s32 s7, s8;
	s9 =	sshrl.u32 s3, $0x3  }
0xc: {  	s10 =	sadd.s32 $0x1E0, s3;
	s11 =	sor.u32 $0xA0, s3;
	s7 =	sadd.s32 s5, s9  }
0xd: {  	s12 =	smax.u32 s12, $0x1;
	s9 =	sadd.s32 $0x140, s3;
	s8 =	sadd.s32 $0x14, s7  }
.LBB2_1:
0xe: {  	[tilespmem:s2], [sflag:$0x1] =	stream.linear.gather [hbm4b:s7+s2], $0xA0, $0x38;
	[tilespmem:$0x14200] =	vst v63  }
0xf: {  	_ =	swait.ge [sflag:s13], $0xA0  }
0x10: {  	[sflag:s13] =	ssyncset.done $0x0  }
0x11: {  	[sflag:s13] =	ssyncadd.s32 $0xFFFFFF60;
	(ifvalue) =	ssetifvalue $0xFFFFFFFF  }
0x12: {  	(ifvalue) =	ssetifvalue $0xFFFFFFFF  }
0x13: {  	[tilespmem:s15], [sflag:$0x3] =	stream.indirect.gather [hbm4b:s4+s14], $0x80, s2, s14, $0x40b8;
	[tilespmem:$0x14200] =	vst v63  }
0x14: {  	s26 =	simm.s32 $0x0  }
0x15: {  	[tilespmem:s16], [sflag:$0x2] =	stream.linear.gather [hbm4b:s8+s2], $0xA0, $0x38;
	[tilespmem:$0x14200] =	vst v63  }
.LBB2_2:
0x16: {  	_ =	swait.ge [sflag:s17], $0x5000  }
0x17: {  	p0 =	seq.s32 s26, $0x13;
	[sflag:s17] =	ssyncset.done $0x0  }
0x18: {  	s28 =	smul.u32 @!p0 $0x140, s26;
	[sflag:s17] =	ssyncadd.s32 $0xFFFFB000  }
0x19: {  	p1 =	seq.s32 @!p0 s26, $0x0;
	_ =	swait.ge [sflag:s18], $0xA0  }
0x1a: {  	p1 =	por p0, !p1;
	s28 =	sadd.s32 @!p0 s28, s9;
	[sflag:s18] =	ssyncset.done $0x0  }
.Ltmp0:
0x1b: {  	[sflag:s18] =	ssyncadd.s32 $0xFFFFFF60;
	(ifvalue) =	ssetifvalue $0xFFFFFFFF;
	(pc) =	sbr.rel @!p1 .LBB2_3-.Ltmp0, $4  }
0x1c: {  	s28 =	sshrl.u32 @!p0 s28, $0x3;
	(ifvalue) =	ssetifvalue $0xFFFFFFFF  }
0x1d: {  	[tilespmem:s19], [sflag:$0x4] =	stream.indirect.gather [hbm4b:s4+s14], $0x80, s16, s14, $0x40b8;
	[tilespmem:$0x14200] =	vst v63  }
0x1e: {  	s29 =	simm.s32 @!p0 $0x0;
	s28 =	sadd.s32 @!p0 s5, s28  }
0x1f: {  	[tilespmem:s29], [sflag:$0x1] =	stream.linear.gather @!p0 [hbm4b:s28+s29], $0xA0, $0x38;
	[tilespmem:$0x14200] =	vst v63  }
.Ltmp1:
0x20: {  	(pc) =	sbr.rel .LBB2_5-.Ltmp1, $4  }
0x21: {  	_ = 	snop  }
0x22: {  	_ =	swait.ge [sflag:s23], $0x5000  }
0x23: {  	[sflag:s23] =	ssyncset.done $0x0  }
0x24: {  	p1 =	por $0x0, $0x0;
	[sflag:s23] =	ssyncadd.s32 $0xFFFFB000  }
.LBB2_3:
0x25: {  	p1 =	por @!p0 $0x1, $0x1  }
.LBB2_5:
0x26: {  	s29 =	simm.s32 $0x0  }
0x27: {  	v1 =	vld [tilespmem:s29+$0x230]  }
0x28: {  	v2 =	vld [tilespmem:s29+$0x200]  }
0x29: {  	v0 =	vld [tilespmem:s29+$0x210]  }
0x2a: {  	s28 =	simm.s32 $0x200;
	v3 =	vld [tilespmem:s29+$0x220]  }
.LBB2_6:
0x2b: {  	p2 =	sne.s32 s28, $0x13E00  }
.Ltmp2:
0x2c: {  	s30 =	sshra.s32 s28, $0x2;
	s28 =	sadd.s32 $0x200, s28;
	[tilespmem:s29+$0xA230] =	vst v1;
	(pc) =	sbr.rel @p2 .LBB2_6-.Ltmp2, $4  }
0x2d: {  	v1 =	vld [tilespmem:s30+$0x230];
	[tilespmem:s29+$0xA200] =	vst v2  }
0x2e: {  	v2 =	vld [tilespmem:s30+$0x200];
	[tilespmem:s29+$0xA210] =	vst v0  }
0x2f: {  	v0 =	vld [tilespmem:s30+$0x210];
	[tilespmem:s29+$0xA220] =	vst v3;
	s29 =	smov.u32 s30  }
0x30: {  	v3 =	vld [tilespmem:s29+$0x220]  }
0x31: {  	s28 =	smul.u32 $0x140, s26  }
0x32: {  	[tilespmem:s29+$0xA230] =	vst v1  }
0x33: {  	[tilespmem:s29+$0xA200] =	vst v2;
	s30 =	sadd.s32 s3, s28  }
0x34: {  	[tilespmem:s29+$0xA210] =	vst v0;
	s30 =	sshll.u32 s30, $0x4  }
0x35: {  	[tilespmem:s29+$0xA220] =	vst v3;
	s29 =	sadd.s32 s6, s30  }
0x36: {  	[hbm4b:s29+s2] =	stream.linear.scatter [tilespmem:s20], [sflag:$0x5], $0x5000, $0x38;
	[tilespmem:$0x14200] =	vst v63  }
0x37: {  	_ =	swait.ge [sflag:s21], $0x5000  }
0x38: {  	[sflag:s21] =	ssyncset.done $0x0  }
0x39: {  	s29 =	simm.s32 @!p0 $0x1;
	[sflag:s21] =	ssyncadd.s32 $0xFFFFB000  }
0x3a: {  	_ =	swait.ge @!p0 [sflag:s29], $0xA0  }
0x3b: {  	[sflag:s29] =	ssyncset.done @!p0 $0x0  }
0x3c: {  	s31 =	simm.s32 @!p0 $0x200;
	[sflag:s29] =	ssyncadd.s32 @!p0 $0xFFFFFF60;
	(ifvalue) =	ssetifvalue @!p0 $0xFFFFFFFF  }
0x3d: {  	s30 =	simm.s32 @!p0 $0x0;
	s29 =	simm.s32 @!p0 $0xA0;
	(ifvalue) =	ssetifvalue @!p0 $0xFFFFFFFF  }
0x3e: {  	[tilespmem:s31], [sflag:$0x3] =	stream.indirect.gather @!p0 [hbm4b:s4+s29], $0x80, s30, s29, $0x40b8;
	[tilespmem:$0x14200] =	vst v63  }
0x3f: {  	s29 =	sadd.s32 @!p0 s28, s10  }
0x40: {  	s29 =	sshrl.u32 @!p0 s29, $0x3  }
0x41: {  	s31 =	simm.s32 @!p0 $0x100;
	s29 =	sadd.s32 @!p0 s5, s29  }
0x42: {  	[tilespmem:s31], [sflag:$0x2] =	stream.linear.gather @!p0 [hbm4b:s29+s30], $0xA0, $0x38;
	[tilespmem:$0x14200] =	vst v63  }
0x43: {  	s29 =	simm.s32 @!p1 $0x6  }
0x44: {  	_ =	swait.ge @!p1 [sflag:s29], $0x5000  }
0x45: {  	[sflag:s29] =	ssyncset.done @!p1 $0x0  }
0x46: {  	[sflag:s29] =	ssyncadd.s32 @!p1 $0xFFFFB000;
	s29 =	simm.s32 $0x0  }
0x47: {  	v1 =	vld [tilespmem:s29+$0x5230]  }
0x48: {  	v2 =	vld [tilespmem:s29+$0x5200]  }
0x49: {  	v0 =	vld [tilespmem:s29+$0x5210]  }
0x4a: {  	s30 =	simm.s32 $0x200;
	v3 =	vld [tilespmem:s29+$0x5220]  }
.LBB2_8:
0x4b: {  	p0 =	sne.s32 s30, $0x13E00  }
.Ltmp3:
0x4c: {  	s31 =	sshra.s32 s30, $0x2;
	s30 =	sadd.s32 $0x200, s30;
	[tilespmem:s29+$0xF230] =	vst v1;
	(pc) =	sbr.rel @p0 .LBB2_8-.Ltmp3, $4  }
0x4d: {  	v1 =	vld [tilespmem:s31+$0x5230];
	[tilespmem:s29+$0xF200] =	vst v2  }
0x4e: {  	v2 =	vld [tilespmem:s31+$0x5200];
	[tilespmem:s29+$0xF210] =	vst v0  }
0x4f: {  	v0 =	vld [tilespmem:s31+$0x5210];
	[tilespmem:s29+$0xF220] =	vst v3;
	s29 =	smov.u32 s31  }
0x50: {  	v3 =	vld [tilespmem:s29+$0x5220]  }
0x51: {  	s26 =	sadd.s32 $0x1, s26  }
0x52: {  	p0 =	sne.s32 s26, $0x14  }
.Ltmp4:
0x53: {  	[tilespmem:s29+$0xF230] =	vst v1;
	(pc) =	sbr.rel @p0 .LBB2_2-.Ltmp4, $4  }
0x54: {  	s28 =	sadd.s32 s28, s11;
	[tilespmem:s29+$0xF200] =	vst v2  }
0x55: {  	s28 =	sshll.u32 s28, $0x4;
	[tilespmem:s29+$0xF210] =	vst v0  }
0x56: {  	s28 =	sadd.s32 s6, s28;
	[tilespmem:s29+$0xF220] =	vst v3  }
0x57: {  	[hbm4b:s28+s2] =	stream.linear.scatter [tilespmem:s22], [sflag:$0x6], $0x5000, $0x38;
	[tilespmem:$0x14200] =	vst v63  }
0x58: {  	s25 =	sadd.s32 $0x1, s25  }
0x59: {  	_ =	swait.ge [sflag:s23], $0x5000;
	p0 =	sne.s32 s25, s12  }
.Ltmp5:
0x5a: {  	[sflag:s23] =	ssyncset.done $0x0;
	(pc) =	sbr.rel @p0 .LBB2_1-.Ltmp5, $4  }
0x5b: {  	[sflag:s23] =	ssyncadd.s32 $0xFFFFB000  }
0x5c: {  	_ =	swait.ge [sflag:s24], $0x5000  }
0x5d: {  	[sflag:s24] =	ssyncset.done $0x0  }
0x5e: {  	[sflag:s24] =	ssyncadd.s32 $0xFFFFB000  }
0x5f: {  	_ =	sfence.sel $0x180000  }
0x60: {  	[bflag:$0x0] =	sbarrier.arrive $0xFFFF  }
0x61: {  	p0 =	sne.s32 s0, $0x0;
	_ =	strace $0x90000047  }
0x62: {  	s0 =	sadd.s32 @!p0 $0x100000, s1;
	[bflag:$0x2] =	sbarrier.arrive $0xFFFF  }
0x63: {  	[sflag:s0] =	ssyncadd.tile.s32 @!p0 $0x1;
	_ =	shalt  }
.Lfunc_end2:
_tile_overlayer_lowered:
.L_overlay_start_2:
0x64: {  	(tag) =	ssettag $0x2  }
0x65: {  	s0 =	rddreg [dreg:$0x0];
	s2 =	stileid.u32  }
0x66: {  	s1 =	rddreg [dreg:$0x1];
	p0 =	sne.s32 s2, $0x0  }
0x67: {  	s3 =	rddreg [dreg:$0x2];
	[bflag:$0x3] =	sbarrier.arrive $0xFFFF;
	s2 =	simm.s32 @!p0 $0x1C07  }
0x68: {  	[timem:s3], [sflag:s2] =	dma.local @!p0 [hbm:s0], s1  }
0x69: {  	s0 =	simm.s32 @!p0 $0x7  }
0x6a: {  	_ =	swait.ge @!p0 [sflag:s0], s1  }
0x6b: {  	s1 =	ssub.s32 @!p0 $0x0, s1;
	[sflag:s0] =	ssyncset.done @!p0 $0x0  }
0x6c: {  	[sflag:s0] =	ssyncadd.s32 @!p0 s1  }
0x6d: {  	[bflag:$0x3] =	sbarrier.arrive $0xFFFF  }
0x6e: {  	_ =	shalt  }

// kernel: sparse-core-data-format-call.cloned.1.call-start
scs
called_computation_lowered:
.L_overlay_start_0:
0x0: {  	s2 =	sld [smem:$0x3FD9]  }
0x1: {  	s3 =	sld [smem:$0x3FFE];
	_ =	sdelay $0x1  }
0x2: {  	s1 =	srdreg.scid  }
0x3: {  	s0 =	sand.u32 $0x1, s1  }
0x4: {  	s18 =	sshll.u32 s0, $0xA;
	s2 =	sadd.s32 s3, s2  }
0x5: {  	s2 =	sadd.s32 s2, s18  }
0x6: {  	[smem:$0x3FC6] =	sst s2  }
0x7: {  	_ = 	snop  }
0x8: {  	s2 =	sld [smem:$0x3FD0];
	(tm) =	ssettm $0x1  }
0x9: {  	s19 =	sld [smem:$0x3FFB];
	_ =	sdelay $0x3  }
0xa: {  	_ =	strace s19  }
0xb: {  	s3 =	sld [smem:$0x3FFC];
	_ =	sdelay $0x3  }
0xc: {  	_ =	strace s3  }
0xd: {  	s3 =	sld [smem:$0x3FFD];
	_ =	sdelay $0x3  }
0xe: {  	_ =	strace s3  }
0xf: {  	_ =	strace $0x8FFFFFFF  }
0x10: {  	s20 =	sld [smem:$0x3FDB];
	_ =	sdelay $0x1  }
0x11: {  	s4 =	simm.s32 $_scs_section_size  }
0x12: {  	s5 =	simm.s32 $_size__tile_overlayer_lowered;
	s6 =	simm.s32 $_tile_overlayer_lowered  }
0x13: {  	s23 =	simm.s32 $0x1BFF;
	s22 =	sshll.u32 s6, $0x1;
	s3 =	sadd.s32 s4, s20  }
0x14: {  	s7 =	simm.s32 $0x0;
	s21 =	sshll.u32 s5, $0x1;
	s5 =	sadd.s32 s22, s3  }
0x15: {  	[timem:s7], [sflag:s23] =	dma.local [hbm:s5], s21  }
0x16: {  	_ =	swait.ge [sflag:s23], s21  }
0x17: {  	s4 =	ssub.s32 $0x0, s21;
	[sflag:s23] =	ssyncset.done $0x0  }
0x18: {  	[sflag:s23] =	ssyncadd.s32 s4;
	_ =	sdelay $0x1  }
0x19: {  	s24 =	simm.s32 $0x1B8B  }
0x1a: {  	_ =	swait.ge [sflag:s24], $0x1  }
0x1b: {  	[sflag:s24] =	ssyncset.done $0x0  }
0x1c: {  	s26 =	simm.s32 $0x1B8E;
	s25 =	sld [smem:$0x3FFE];
	[sflag:s24] =	ssyncadd.s32 $0xFFFFFFFF  }
0x1d: {  	s27 =	simm.s32 $execute0_lowered;
	[smem:$0x3FD2] =	sst s26  }
0x1e: {  	s5 =	sshll.u32 s27, $0x1;
	_ =	strace $0x80000049;
	[dreg:$0x1] =	wrdreg $0xFFFFFFFF  }
0x1f: {  	s28 =	simm.s32 $_size_execute0_lowered;
	s3 =	sadd.s32 s3, s5;
	[dreg:$0x0] =	wrdreg $0x0  }
0x20: {  	s5 =	sshll.u32 s28, $0x1;
	[dreg:$0x2] =	wrdreg s3  }
0x21: {  	[dreg:$0x3] =	wrdreg s5  }
0x22: {  	[dreg:$0x4] =	wrdreg $0xC0  }
0x23: {  	_ =	task [dreg:s7], $0x5FFFF  }
0x24: {  	[dreg:$0x1] =	wrdreg $0xFFFFFFFF  }
0x25: {  	[dreg:$0x0] =	wrdreg $0x60  }
0x26: {  	[dreg:$0x2] =	wrdreg s25  }
0x27: {  	[dreg:$0x3] =	wrdreg s2  }
0x28: {  	[dreg:$0x4] =	wrdreg $0x9  }
0x29: {  	_ =	task.clear_ibuf [dreg:s7], $0x5FFFF;
	_ =	strace $0x90000049  }
0x2a: {  	s29 =	simm.s32 $0x9;
	_ =	strace $0x8000004B  }
0x2b: {  	_ =	swait.ge [sflag:s29], $0x1  }
0x2c: {  	[sflag:s29] =	ssyncadd.s32 $0xFFFFFFFF  }
0x2d: {  	_ =	strace $0x9000004B  }
0x2e: {  	_ =	sfence  }
0x2f: {  	s30 =	sld [smem:$0x0];
	_ =	sdelay $0x2  }
0x30: {  	s31 =	sshll.u32 s1, $0xD;
	s1 =	sshrl.u32 s1, $0x2  }
0x31: {  	s3 =	sand.u32 $0x4000, s31;
	s1 =	sadd.s32 s1, s30  }
0x32: {  	s0 =	sor.u32 s3, s0;
	s1 =	sshll.u32 s1, $0x11  }
0x33: {  	s0 =	sor.u32 s1, s0  }
0x34: {  	s0 =	sadd.s32 $0x8F2B, s0  }
0x35: {  	[sflag:s0] =	ssyncadd.remote.s32 $0x1  }
0x36: {  	_ =	sfence.sel $0xFFFF  }
0x37: {  	[dreg:$0x0] =	wrdreg $0xFFFFFFFF;
	(pc) =	sbr.abs _section_cstart, $3  }
0x38: {  	[dreg:$0x1] =	wrdreg $0xFFFFFFFF  }
0x39: {  	_ =	task.clear_ibuf [dreg:s7], $0x2FFFF;
	_ =	strace $0x9FFFFFFF  }
0x3a: {  	(tm) =	ssettm $0x7FFFFFFF  }
0x3b: {  	_ =	shalt  }
tec
execute0_lowered:
.L_overlay_start_1:
0x0: {  	(tag) =	ssettag $0x1  }
0x1: {  	s0 =	srdreg.scid  }
0x2: {  	s1 =	sshll.u32 s0, $0x4  }
0x3: {  	s0 =	stileid.u32;
	s1 =	sand.u32 $0x10, s1  }
0x4: {  	s1 =	sor.u32 s0, s1  }
0x5: {  	s6 =	rddreg [dreg:$0x0];
	s4 =	simm.s32 $0x1;
	s2 =	sshll.u32 s1, $0x7  }
0x6: {  	s7 =	simm.s32 $0x2;
	s12 =	simm.s32 $0x0;
	s1 =	ssub.s32 $0x1000, s2  }
0x7: {  	s8 =	simm.s32 $0x8000;
	s13 =	simm.s32 $0x0;
	s3 =	sand.u32 $0xF80, s1  }
0x8: {  	s9 =	simm.s32 $0x0;
	s5 =	sshrl.u32 s1, $0xC;
	p0 =	sne.s32 s3, $0x0  }
.Ltmp0:
0x9: {  	s1 =	rddreg [dreg:$0x2];
	s4 =	simm.s32 @!p0 $0x0;
	(pc) =	sbr.rel .LBB1_1-.Ltmp0, $4  }
0xa: {  	s11 =	simm.s32 $0x0;
	s3 =	rddreg [dreg:$0x1];
	s5 =	sadd.s32 s4, s5  }
0xb: {  	_ =	strace $0x8000004A;
	s4 =	simm.s32 $0x1;
	s5 =	smul.u32 $0x32, s5  }
0xc: {  	s6 =	sadd.s32 $0x4AD600, s6;
	s10 =	smov.u32 s2;
	[sflag:s4] =	ssyncpa.u1 $0x0  }
0xd: {  	p0 =	por $0x0, $0x0;
	[sflag:s7] =	ssyncpa.u1 $0x0;
	s7 =	sor.u32 $0x1, s5  }
.LBB1_4:
0xe: {  	s16 =	sshll.u32 s13, $0x3;
	s17 =	sand.u32 $0x78, s13  }
0xf: {  	s30 =	sand.u32 $0x7E00, s13;
	s12 =	sshll.u32 s12, $0xF;
	s16 =	sand.u32 $0xC00, s16  }
0x10: {  	[tilespmem:s15+$0x810 ss:$0x81] =	vst.msk $0xffff, v2;
	s31 =	sand.u32 $0x7, s13;
	s16 =	sor.u32 s17, s16;
	s17 =	sadd.s32 s3, s30  }
0x11: {  	[tilespmem:s15+$0x1020 ss:$0x81] =	vst.msk $0xffff, v0;
	s13 =	sshll.u32 s31, $0x12;
	s12 =	sadd.s32 s12, s17;
	s16 =	sshrl.u32 s16, $0x3  }
0x12: {  	[tilespmem:s15+$0x0 ss:$0x81] =	vst.msk $0xffff, v1;
	s13 =	sor.u32 $0x400, s13;
	s12 =	sadd.s32 s16, s12  }
0x13: {  	[hbm4b:s12+s13] =	stream.strided.scatter [tilespmem:s14], [sflag:$0x2], $0x2000, s8, s13, $0x20;
	[tilespmem:$0x8080] =	vst v63  }
.LBB1_5:
0x14: {  	s14 =	sadd.s32 $0x1, s9  }
0x15: {  	s12 =	sadd.s32 $0x1000, s10;
	s16 =	smov.u32 s10;
	p2 =	sgt.s32 s14, $0x31  }
0x16: {  	s16 =	smov.u32 @p2 s12  }
0x17: {  	s14 =	simm.s32 @p2 $0x0;
	p2 =	sgt.s32 s16, $0xFFF  }
0x18: {  	s16 =	smov.u32 @p2 s2;
	p2 =	sne.s32 s11, s7  }
.Ltmp1:
0x19: {  	p1 =	slt.u32 s11, $0x2;
	(pc) =	sbr.rel @!p2 .LBB1_6-.Ltmp1, $4  }
0x1a: {  	s15 =	simm.s32 @!p1 $0x2  }
0x1b: {  	s13 =	smov.u32 s10;
	p0 =	por !p0, !p0;
	_ =	swait.ge @!p1 [sflag:s15], $0x2000  }
0x1c: {  	s12 =	smov.u32 s9;
	[sflag:s15] =	ssyncset.done @!p1 $0x0;
	s9 =	smov.u32 s14  }
0x1d: {  	s11 =	sadd.s32 $0x1, s11;
	[sflag:s15] =	ssyncadd.s32 @!p1 $0xFFFFE000;
	s10 =	smov.u32 s16  }
.LBB1_1:
0x1e: {  	p1 =	sge.u32 s11, s5  }
0x1f: {  	s14 =	sand.u32 @!p1 $0x1FFFFFF, s9  }
0x20: {  	s15 =	smulhi.u32 @!p1 $0x4924925, s14;
	_ =	sdelay $0x1  }
0x21: {  	s15 =	smul.u32 @!p1 $0x38, s15  }
0x22: {  	s16 =	sxor.u32 @!p1 $0xFFFFFFFF, s11;
	s17 =	smul.u32 @!p1 $0x380, s10  }
0x23: {  	s31 =	sadd.s32 $0xFFFFFFFF, s11;
	s16 =	sshll.u32 @!p1 s16, $0xD;
	s14 =	ssub.s32 @!p1 s14, s15  }
0x24: {  	s15 =	sand.u32 @!p1 $0x2000, s16;
	s16 =	sadd.s32 @!p1 s6, s17;
	s14 =	sshll.u32 @!p1 s14, $0x4  }
0x25: {  	s17 =	simm.s32 @!p1 $0x1C00;
	s14 =	sadd.s32 @!p1 s14, s16;
	s16 =	simm.s32 @!p1 $0x40  }
0x26: {  	[tilespmem:s15], [sflag:$0x1] =	stream.strided.gather @!p1 [hbm4b:s14+s16], $0x2000, s17, s16, $0x38;
	[tilespmem:$0x8080] =	vst v63  }
0x27: {  	p1 =	sge.u32 s31, s5  }
.Ltmp2:
0x28: {  	_ = 	snop;
	(pc) =	sbr.rel @p1 .LBB1_5-.Ltmp2, $1  }
0x29: {  	_ =	sdelay $0x3  }
0x2a: {  	s14 =	simm.s32 $0x1  }
0x2b: {  	_ =	swait.ge [sflag:s4], $0x2000;
	s14 =	simm.s32 @!p0 $0x0  }
0x2c: {  	[sflag:s4] =	ssyncset.done $0x0;
	s15 =	sshll.u32 s14, $0xD  }
0x2d: {  	[sflag:s4] =	ssyncadd.s32 $0xFFFFE000;
	s18 =	sor.u32 $0x20, s15  }
0x2e: {  	s14 =	smul.u32 $0x8100, s14;
	v3 =	vld [tilespmem:s18+$0x10]  }
0x2f: {  	s30 =	sand.u32 $0x1, s11;
	v2 =	vld [tilespmem:s18+$0xFFFFFFF0]  }
0x30: {  	s15 =	smul.u32 $0x8100, s30;
	s14 =	sshrl.u32 s14, $0x2;
	v0 =	vld [tilespmem:s18+$0x0]  }
0x31: {  	v1 =	vld [tilespmem:s18+$0xFFFFFFE0];
	s16 =	sor.u32 $0x4000, s14  }
0x32: {  	s31 =	sshrl.u32 s15, $0x2;
	s15 =	sadd.s32 $0x0, s16  }
0x33: {  	s17 =	simm.s32 $0x4;
	s18 =	sadd.s32 $0x40, s18;
	s14 =	sor.u32 $0x4000, s31;
	[tilespmem:s15+$0x1830 ss:$0x81] =	vst.msk $0xffff, v3  }
.LBB1_3:
0x34: {  	v3 =	vld [tilespmem:s18+$0x10];
	p1 =	sne.s32 s17, $0x1FC;
	[tilespmem:s15+$0x810 ss:$0x81] =	vst.msk $0xffff, v2;
	s19 =	smov.u32 s17;
	s17 =	sadd.s32 $0x4, s17  }
.Ltmp3:
0x35: {  	v2 =	vld [tilespmem:s18+$0xFFFFFFF0];
	[tilespmem:s15+$0x1020 ss:$0x81] =	vst.msk $0xffff, v0;
	(pc) =	sbr.rel @p1 .LBB1_3-.Ltmp3, $4  }
0x36: {  	v0 =	vld [tilespmem:s18+$0x0];
	[tilespmem:s15+$0x0 ss:$0x81] =	vst.msk $0xffff, v1  }
0x37: {  	s15 =	sshra.s32 s19, $0x2;
	v1 =	vld [tilespmem:s18+$0xFFFFFFE0]  }
0x38: {  	s15 =	sadd.s32 s15, s16  }
0x39: {  	s18 =	sadd.s32 $0x40, s18;
	[tilespmem:s15+$0x1830 ss:$0x81] =	vst.msk $0xffff, v3  }
.Ltmp4:
0x3a: {  	_ = 	snop;
	(pc) =	sbr.rel .LBB1_4-.Ltmp4, $1  }
0x3b: {  	_ =	sdelay $0x3  }
.LBB1_6:
0x3c: {  	_ =	sfence.sel $0x180000  }
0x3d: {  	s2 =	simm.s32 $0x1;
	[bflag:$0x0] =	sbarrier.arrive $0xFFFF  }
0x3e: {  	s31 =	simm.s32 $0x2;
	[sflag:s2] =	ssyncpa.u1 $0x1  }
0x3f: {  	[sflag:s31] =	ssyncpa.u1 $0x1  }
0x40: {  	p0 =	sne.s32 s0, $0x0;
	_ =	strace $0x9000004A  }
0x41: {  	s0 =	sadd.s32 @!p0 $0x100000, s1;
	[bflag:$0x2] =	sbarrier.arrive $0xFFFF  }
0x42: {  	[sflag:s0] =	ssyncadd.tile.s32 @!p0 $0x1;
	_ =	shalt  }
.Lfunc_end1:
_tile_overlayer_lowered:
.L_overlay_start_2:
0x43: {  	(tag) =	ssettag $0x2  }
0x44: {  	s0 =	rddreg [dreg:$0x0];
	s2 =	stileid.u32  }
0x45: {  	s1 =	rddreg [dreg:$0x1];
	p0 =	sne.s32 s2, $0x0  }
0x46: {  	s3 =	rddreg [dreg:$0x2];
	[bflag:$0x3] =	sbarrier.arrive $0xFFFF;
	s2 =	simm.s32 @!p0 $0x1C01  }
0x47: {  	[timem:s3], [sflag:s2] =	dma.local @!p0 [hbm:s0], s1  }
0x48: {  	s0 =	simm.s32 @!p0 $0x1  }
0x49: {  	_ =	swait.ge @!p0 [sflag:s0], s1  }
0x4a: {  	s1 =	ssub.s32 @!p0 $0x0, s1;
	[sflag:s0] =	ssyncset.done @!p0 $0x0  }
0x4b: {  	[sflag:s0] =	ssyncadd.s32 @!p0 s1  }
0x4c: {  	[bflag:$0x3] =	sbarrier.arrive $0xFFFF  }
0x4d: {  	_ =	shalt  }

</sc_bundles>
